<compile_context>
chip_gen: v7x
topology: tpu7x:2x2x1
jax: 0.10.2.dev20260603
libtpu: 0.0.44.dev20260713+nightly
codegen_flags: <defaults>
</compile_context>

<pallas_src>
import functools

import jax
import jax.numpy as jnp
from jax import lax
from jax.experimental import pallas as pl
from jax.experimental.pallas import tpu as pltpu
from jax.experimental.pallas import tpu_sc as plsc

K = 8192
D = 32
BETA = 0.25

TBLK = 2048
KBLK = 2048
NKB = K // KBLK

N_TOKENS = 16 * 32 * 32

NC = 2
NS = 16
NW = NC * NS
BPW = N_TOKENS // NW


NKB_HALF = NKB // 2


def _argmin_body(x_ref, xx_ref, w_ref, ww_ref, out_ref,
                 best0_ref, besti0_ref, best1_ref, besti1_ref):
    j = pl.program_id(1)

    @pl.when(j == 0)
    def _init():
        best0_ref[...] = jnp.full((TBLK, 1), jnp.inf, jnp.float32)
        besti0_ref[...] = jnp.zeros((TBLK, 1), jnp.int32)
        best1_ref[...] = jnp.full((TBLK, 1), jnp.inf, jnp.float32)
        besti1_ref[...] = jnp.zeros((TBLK, 1), jnp.int32)

    x = x_ref[...]
    w = w_ref[...]
    xw = lax.dot_general(x, w, (((1,), (1,)), ((), ())),
                         preferred_element_type=jnp.float32)
    dist = (xx_ref[...] - 2.0 * xw) + ww_ref[...]
    m = jnp.min(dist, axis=1, keepdims=True)
    iota = lax.broadcasted_iota(jnp.int32, (TBLK, KBLK), 1)
    im = jnp.min(jnp.where(dist == m, iota, jnp.int32(2**30)),
                 axis=1, keepdims=True) + j * KBLK

    @pl.when(j < NKB_HALF)
    def _upd0():
        cond = m < best0_ref[...]
        best0_ref[...] = jnp.where(cond, m, best0_ref[...])
        besti0_ref[...] = jnp.where(cond, im, besti0_ref[...])

    @pl.when(j >= NKB_HALF)
    def _upd1():
        cond = m < best1_ref[...]
        best1_ref[...] = jnp.where(cond, m, best1_ref[...])
        besti1_ref[...] = jnp.where(cond, im, besti1_ref[...])

    @pl.when(j == NKB - 1)
    def _flush():
        u = lax.bitcast_convert_type(best0_ref[...], jnp.int32)
        b0 = lax.bitcast_convert_type((u + 0x7FFF) >> 16 << 16, jnp.float32)
        take0 = b0 <= best1_ref[...]
        out_ref[...] = jnp.where(take0, besti0_ref[...], besti1_ref[...])


def _tc_argmin(flat, xx, W, ww_row):
    grid = (N_TOKENS // TBLK, NKB)
    return pl.pallas_call(
        _argmin_body,
        grid=grid,
        in_specs=[
            pl.BlockSpec((TBLK, D), lambda i, j: (i, 0)),
            pl.BlockSpec((TBLK, 1), lambda i, j: (i, 0)),
            pl.BlockSpec((KBLK, D), lambda i, j: (j, 0)),
            pl.BlockSpec((1, KBLK), lambda i, j: (0, j)),
        ],
        out_specs=pl.BlockSpec((TBLK, 1), lambda i, j: (i, 0)),
        out_shape=jax.ShapeDtypeStruct((N_TOKENS, 1), jnp.int32),
        scratch_shapes=[
            pltpu.VMEM((TBLK, 1), jnp.float32),
            pltpu.VMEM((TBLK, 1), jnp.int32),
            pltpu.VMEM((TBLK, 1), jnp.float32),
            pltpu.VMEM((TBLK, 1), jnp.int32),
        ],
        compiler_params=pltpu.CompilerParams(
            dimension_semantics=("parallel", "arbitrary"),
        ),
    )(flat, xx, W, ww_row)


def _sc_gather_body(w_hbm, idx_hbm, x_hbm, out_hbm, idx_v, rows_v, x_v, sem):
    wid = lax.axis_index("s") * NC + lax.axis_index("c")
    base = wid * BPW
    pltpu.sync_copy(idx_hbm.at[pl.ds(base, BPW)], idx_v)
    pltpu.async_copy(w_hbm.at[idx_v], rows_v, sem).wait()
    pltpu.sync_copy(x_hbm.at[pl.ds(base, BPW)], x_v)

    def body(i, carry):
        for j in (0, 16):
            xs = x_v[i, pl.ds(j, 16)]
            qs = rows_v[i, pl.ds(j, 16)]
            rows_v[i, pl.ds(j, 16)] = xs + BETA * (qs - xs)
        return carry

    lax.fori_loop(0, BPW, body, 0)
    pltpu.sync_copy(rows_v, out_hbm.at[pl.ds(base, BPW)])


@functools.cache
def _sc_gather_lerp():
    return pl.kernel(
        _sc_gather_body,
        out_type=jax.ShapeDtypeStruct((N_TOKENS, D), jnp.float32),
        mesh=plsc.VectorSubcoreMesh(core_axis_name="c", subcore_axis_name="s"),
        scratch_types=[
            pltpu.VMEM((BPW,), jnp.int32),
            pltpu.VMEM((BPW, D), jnp.float32),
            pltpu.VMEM((BPW, D), jnp.float32),
            pltpu.SemaphoreType.DMA,
        ],
        compiler_params=pltpu.CompilerParams(use_tc_tiling_on_sc=False),
    )


def kernel(latents, W):
    x4 = jnp.transpose(latents, (0, 2, 3, 1))
    flat = x4.reshape(-1, D)
    xx = jnp.sum(flat ** 2, axis=1, keepdims=True)
    ww = jnp.sum(W ** 2, axis=1)
    idx = _tc_argmin(flat, xx, W, ww.reshape(1, K))
    idx_flat = idx.reshape(-1)
    q = _sc_gather_lerp()(W, idx_flat, flat)
    quantized = jnp.transpose(q.reshape(x4.shape), (0, 3, 1, 2))
    embed_ind = idx_flat.reshape(x4.shape[:-1])
    return (quantized, embed_ind)

# --- scband reference (transcript-rebuilt; emitter-appended) ---
"""Pipeline reference for scband-vector-quantizer-51694226375374 (READ-ONLY COPY).

The authoritative reference and input builder live on the scoring server;
editing this copy changes nothing except your own understanding.
"""

import jax, jax.numpy as jnp
import numpy as np

K = 8192
D = 32
BETA = 0.25


def setup_inputs(seed: int = 0) -> dict:
    key = jax.random.key(seed)
    k1, k2 = jax.random.split(key)
    latents = jax.random.normal(k1, (16, 32, 32, 32), dtype=jnp.float32)
    W = jax.random.uniform(k2, (K, D), minval=-1.0 / K, maxval=1.0 / K, dtype=jnp.float32)
    return {"latents": latents, "W": W}


def reference(latents, W):
    # latents: [B, D, H, W] -> [B, H, W, D]
    x = jnp.transpose(latents, (0, 2, 3, 1))
    latents_shape = x.shape
    flat = x.reshape(-1, D)
    # squared L2 distance to every codebook entry
    dist = (jnp.sum(flat ** 2, axis=1, keepdims=True)
            - 2.0 * jnp.matmul(flat, W.T)
            + jnp.sum(W ** 2, axis=1))
    embed_ind = jnp.argmax(-dist, axis=1)
    embed_onehot = jax.nn.one_hot(embed_ind, K, dtype=flat.dtype)
    embed_ind_r = embed_ind.reshape(latents_shape[:-1])
    quantized = jnp.matmul(embed_onehot, W).reshape(latents_shape)
    diff = BETA * (jax.lax.stop_gradient(quantized) - x)
    quantized = x + diff
    quantized = jnp.transpose(quantized, (0, 3, 1, 2))
    return (quantized, embed_ind_r)

if __name__ == "__main__":
    import jax
    _d = setup_inputs()
    print(jax.jit(kernel)(*tuple(_d.values())))

</pallas_src>

<mosaic_0001>
#map = affine_map<(d0, d1) -> (0, 0)>
#map1 = affine_map<(d0, d1) -> (0)>
module attributes {stable_mosaic.version = 14 : i64} {
  func.func @_sc_gather_body(%arg0: i32, %arg1: i32, %arg2: memref<8192x32xf32, #tpu.memory_space<hbm>>, %arg3: memref<16384xi32, #tpu.memory_space<hbm>>, %arg4: memref<16384x32xf32, #tpu.memory_space<hbm>>, %arg5: memref<16384x32xf32, #tpu.memory_space<hbm>>, %arg6: memref<512xi32, #tpu.memory_space<vmem>>, %arg7: memref<512x32xf32, #tpu.memory_space<vmem>>, %arg8: memref<512x32xf32, #tpu.memory_space<vmem>>, %arg9: memref<!tpu.dma_semaphore, #tpu.memory_space<semaphore_mem>>) attributes {dimension_semantics = [#tpu.dimension_semantics<core_parallel>, #tpu.dimension_semantics<subcore_parallel>], iteration_bounds = array<i64: 2, 16>, scalar_prefetch = 0 : i64, scratch_operands = 4 : i64, tpu.core_type = #tpu.core_type<sc_vector_subcore>, window_params = [{transform_indices = #map}, {transform_indices = #map1}, {transform_indices = #map}, {transform_indices = #map}]} {
    %mul3A = arith.constant 2 : i32
    %mul3A_0 = arith.muli %arg1, %mul3A : i32
    %add3A = arith.addi %mul3A_0, %arg0 : i32
    %mul3A_1 = arith.constant 512 : i32
    %mul3A_2 = arith.muli %add3A, %mul3A_1 : i32
    "tpu.region"() ({
      %run_scoped3A = tpu.sem_alloc : memref<!tpu.dma_semaphore, #tpu.memory_space<semaphore_mem>>
      %dma_start3A_12 = tpu.memref_slice %arg3[%mul3A_2] : memref<16384xi32, #tpu.memory_space<hbm>> -> memref<512xi32, #tpu.memory_space<hbm>>
      %dma_start3A_13 = tpu.memref_slice %arg3[%mul3A_2] : memref<16384xi32, #tpu.memory_space<hbm>> -> memref<512xi32, #tpu.memory_space<hbm>>
      tpu.enqueue_dma source(%dma_start3A_13 : memref<512xi32, #tpu.memory_space<hbm>>) target(%arg6 : memref<512xi32, #tpu.memory_space<vmem>>) target_semaphore(%run_scoped3A : memref<!tpu.dma_semaphore, #tpu.memory_space<semaphore_mem>>)
      %dma_wait3A_14 = tpu.memref_slice %arg3[%mul3A_2] : memref<16384xi32, #tpu.memory_space<hbm>> -> memref<512xi32, #tpu.memory_space<hbm>>
      %dma_wait3A_15 = tpu.memref_slice %arg3[%mul3A_2] : memref<16384xi32, #tpu.memory_space<hbm>> -> memref<512xi32, #tpu.memory_space<hbm>>
      tpu.wait_dma2 semaphore(%run_scoped3A : memref<!tpu.dma_semaphore, #tpu.memory_space<semaphore_mem>>) src(%dma_wait3A_15 : memref<512xi32, #tpu.memory_space<hbm>>) dst(%arg6 : memref<512xi32, #tpu.memory_space<vmem>>)
      tpu.yield
    }) : () -> ()
    %dma_start3A = arith.constant 0 : i32
    %dma_start3A_3 = arith.constant 0 : i32
    %dma_start3A_4 = tpu.memref_slice %arg2[%dma_start3A, %dma_start3A_3] : memref<8192x32xf32, #tpu.memory_space<hbm>> -> memref<8192x32xf32, #tpu.memory_space<hbm>>
    tpu.enqueue_indirect_dma source(%dma_start3A_4 : memref<8192x32xf32, #tpu.memory_space<hbm>>) target(%arg7 : memref<512x32xf32, #tpu.memory_space<vmem>>) offsets(%arg6 : memref<512xi32, #tpu.memory_space<vmem>>) semaphore(%arg9 : memref<!tpu.dma_semaphore, #tpu.memory_space<semaphore_mem>>)
    %dma_wait3A = arith.constant 0 : i32
    %dma_wait3A_5 = arith.constant 0 : i32
    %dma_wait3A_6 = tpu.memref_slice %arg2[%dma_wait3A, %dma_wait3A_5] : memref<8192x32xf32, #tpu.memory_space<hbm>> -> memref<8192x32xf32, #tpu.memory_space<hbm>>
    tpu.wait_indirect_dma semaphore(%arg9 : memref<!tpu.dma_semaphore, #tpu.memory_space<semaphore_mem>>) src(%dma_wait3A_6 : memref<8192x32xf32, #tpu.memory_space<hbm>>) dst(%arg7 : memref<512x32xf32, #tpu.memory_space<vmem>>)
    "tpu.region"() ({
      %run_scoped3A = tpu.sem_alloc : memref<!tpu.dma_semaphore, #tpu.memory_space<semaphore_mem>>
      %dma_start3A_12 = arith.constant 0 : i32
      %dma_start3A_13 = tpu.memref_slice %arg4[%mul3A_2, %dma_start3A_12] : memref<16384x32xf32, #tpu.memory_space<hbm>> -> memref<512x32xf32, #tpu.memory_space<hbm>>
      %dma_start3A_14 = arith.constant 0 : i32
      %dma_start3A_15 = tpu.memref_slice %arg4[%mul3A_2, %dma_start3A_14] : memref<16384x32xf32, #tpu.memory_space<hbm>> -> memref<512x32xf32, #tpu.memory_space<hbm>>
      tpu.enqueue_dma source(%dma_start3A_15 : memref<512x32xf32, #tpu.memory_space<hbm>>) target(%arg8 : memref<512x32xf32, #tpu.memory_space<vmem>>) target_semaphore(%run_scoped3A : memref<!tpu.dma_semaphore, #tpu.memory_space<semaphore_mem>>)
      %dma_wait3A_16 = arith.constant 0 : i32
      %dma_wait3A_17 = tpu.memref_slice %arg4[%mul3A_2, %dma_wait3A_16] : memref<16384x32xf32, #tpu.memory_space<hbm>> -> memref<512x32xf32, #tpu.memory_space<hbm>>
      %dma_wait3A_18 = arith.constant 0 : i32
      %dma_wait3A_19 = tpu.memref_slice %arg4[%mul3A_2, %dma_wait3A_18] : memref<16384x32xf32, #tpu.memory_space<hbm>> -> memref<512x32xf32, #tpu.memory_space<hbm>>
      tpu.wait_dma2 semaphore(%run_scoped3A : memref<!tpu.dma_semaphore, #tpu.memory_space<semaphore_mem>>) src(%dma_wait3A_19 : memref<512x32xf32, #tpu.memory_space<hbm>>) dst(%arg8 : memref<512x32xf32, #tpu.memory_space<vmem>>)
      tpu.yield
    }) : () -> ()
    %scan3A = arith.constant 0 : i32
    %scan3A_7 = arith.constant 0 : i32
    %scan3A_8 = arith.constant 512 : i32
    %scan3A_9 = arith.addi %scan3A_7, %scan3A_8 : i32
    %scan3A_10 = arith.constant 1 : i32
    scf.for %scan3A_12 = %scan3A_7 to %scan3A_9 step %scan3A_10  : i32 {
      %get3A = arith.index_cast %scan3A_12 : i32 to index
      %get3A_13 = arith.constant 0 : index
      %get3A_14 = tpu.vector_load %arg8[%get3A, %get3A_13] {strides = array<i32>} : memref<512x32xf32, #tpu.memory_space<vmem>>, vector<1x16xf32>,
      %get3A_15 = vector.shape_cast %get3A_14 : vector<1x16xf32> to vector<16xf32>
      %get3A_16 = arith.index_cast %scan3A_12 : i32 to index
      %get3A_17 = arith.constant 0 : index
      %get3A_18 = tpu.vector_load %arg7[%get3A_16, %get3A_17] {strides = array<i32>} : memref<512x32xf32, #tpu.memory_space<vmem>>, vector<1x16xf32>,
      %get3A_19 = vector.shape_cast %get3A_18 : vector<1x16xf32> to vector<16xf32>
      %sub3A = arith.subf %get3A_19, %get3A_15 : vector<16xf32>
      %mul3A_20 = arith.constant 2.500000e-01 : f32
      %mul3A_21 = vector.broadcast %mul3A_20 : f32 to vector<16xf32>
      %mul3A_22 = arith.mulf %mul3A_21, %sub3A : vector<16xf32>
      %add3A_23 = arith.addf %get3A_15, %mul3A_22 : vector<16xf32>
      %swap3A = arith.index_cast %scan3A_12 : i32 to index
      %swap3A_24 = arith.constant 0 : index
      %swap3A_25 = tpu.vector_load %arg7[%swap3A, %swap3A_24] {strides = array<i32>} : memref<512x32xf32, #tpu.memory_space<vmem>>, vector<1x16xf32>,
      %swap3A_26 = vector.shape_cast %swap3A_25 : vector<1x16xf32> to vector<16xf32>
      %swap3A_27 = vector.shape_cast %add3A_23 : vector<16xf32> to vector<1x16xf32>
      tpu.vector_store %arg7[%swap3A, %swap3A_24], %swap3A_27 {strides = array<i32>} : memref<512x32xf32, #tpu.memory_space<vmem>>, vector<1x16xf32>,
      %get3A_28 = arith.index_cast %scan3A_12 : i32 to index
      %get3A_29 = arith.constant 16 : index
      %get3A_30 = tpu.vector_load %arg8[%get3A_28, %get3A_29] {strides = array<i32>} : memref<512x32xf32, #tpu.memory_space<vmem>>, vector<1x16xf32>,
      %get3A_31 = vector.shape_cast %get3A_30 : vector<1x16xf32> to vector<16xf32>
      %get3A_32 = arith.index_cast %scan3A_12 : i32 to index
      %get3A_33 = arith.constant 16 : index
      %get3A_34 = tpu.vector_load %arg7[%get3A_32, %get3A_33] {strides = array<i32>} : memref<512x32xf32, #tpu.memory_space<vmem>>, vector<1x16xf32>,
      %get3A_35 = vector.shape_cast %get3A_34 : vector<1x16xf32> to vector<16xf32>
      %sub3A_36 = arith.subf %get3A_35, %get3A_31 : vector<16xf32>
      %mul3A_37 = arith.constant 2.500000e-01 : f32
      %mul3A_38 = vector.broadcast %mul3A_37 : f32 to vector<16xf32>
      %mul3A_39 = arith.mulf %mul3A_38, %sub3A_36 : vector<16xf32>
      %add3A_40 = arith.addf %get3A_31, %mul3A_39 : vector<16xf32>
      %swap3A_41 = arith.index_cast %scan3A_12 : i32 to index
      %swap3A_42 = arith.constant 16 : index
      %swap3A_43 = tpu.vector_load %arg7[%swap3A_41, %swap3A_42] {strides = array<i32>} : memref<512x32xf32, #tpu.memory_space<vmem>>, vector<1x16xf32>,
      %swap3A_44 = vector.shape_cast %swap3A_43 : vector<1x16xf32> to vector<16xf32>
      %swap3A_45 = vector.shape_cast %add3A_40 : vector<16xf32> to vector<1x16xf32>
      tpu.vector_store %arg7[%swap3A_41, %swap3A_42], %swap3A_45 {strides = array<i32>} : memref<512x32xf32, #tpu.memory_space<vmem>>, vector<1x16xf32>,
    }
    %scan3A_11 = arith.constant 512 : i32
    "tpu.region"() ({
      %run_scoped3A = tpu.sem_alloc : memref<!tpu.dma_semaphore, #tpu.memory_space<semaphore_mem>>
      %dma_start3A_12 = arith.constant 0 : i32
      %dma_start3A_13 = tpu.memref_slice %arg5[%mul3A_2, %dma_start3A_12] : memref<16384x32xf32, #tpu.memory_space<hbm>> -> memref<512x32xf32, #tpu.memory_space<hbm>>
      %dma_start3A_14 = arith.constant 0 : i32
      %dma_start3A_15 = tpu.memref_slice %arg5[%mul3A_2, %dma_start3A_14] : memref<16384x32xf32, #tpu.memory_space<hbm>> -> memref<512x32xf32, #tpu.memory_space<hbm>>
      tpu.enqueue_dma source(%arg7 : memref<512x32xf32, #tpu.memory_space<vmem>>) target(%dma_start3A_15 : memref<512x32xf32, #tpu.memory_space<hbm>>) target_semaphore(%run_scoped3A : memref<!tpu.dma_semaphore, #tpu.memory_space<semaphore_mem>>)
      %dma_wait3A_16 = arith.constant 0 : i32
      %dma_wait3A_17 = tpu.memref_slice %arg5[%mul3A_2, %dma_wait3A_16] : memref<16384x32xf32, #tpu.memory_space<hbm>> -> memref<512x32xf32, #tpu.memory_space<hbm>>
      %dma_wait3A_18 = arith.constant 0 : i32
      %dma_wait3A_19 = tpu.memref_slice %arg5[%mul3A_2, %dma_wait3A_18] : memref<16384x32xf32, #tpu.memory_space<hbm>> -> memref<512x32xf32, #tpu.memory_space<hbm>>
      tpu.wait_dma2 semaphore(%run_scoped3A : memref<!tpu.dma_semaphore, #tpu.memory_space<semaphore_mem>>) src(%arg7 : memref<512x32xf32, #tpu.memory_space<vmem>>) dst(%dma_wait3A_19 : memref<512x32xf32, #tpu.memory_space<hbm>>)
      tpu.yield
    }) : () -> ()
    return
  }
}

module attributes {stable_mosaic.version = 14 : i64} {
  func.func @_argmin_body(%arg0: i32, %arg1: i32, %arg2: memref<2048x32xf32, #tpu.memory_space<vmem>>, %arg3: memref<2048x1xf32, #tpu.memory_space<vmem>>, %arg4: memref<2048x32xf32, #tpu.memory_space<vmem>>, %arg5: memref<1x2048xf32, #tpu.memory_space<vmem>>, %arg6: memref<2048x1xi32, #tpu.memory_space<vmem>>, %arg7: memref<2048x1xf32, #tpu.memory_space<vmem>>, %arg8: memref<2048x1xi32, #tpu.memory_space<vmem>>, %arg9: memref<2048x1xf32, #tpu.memory_space<vmem>>, %arg10: memref<2048x1xi32, #tpu.memory_space<vmem>>) attributes {dimension_semantics = [#tpu.dimension_semantics<parallel>, #tpu.dimension_semantics<arbitrary>], iteration_bounds = array<i64: 8, 4>, scalar_prefetch = 0 : i64, scratch_operands = 4 : i64, tpu.core_type = #tpu.core_type<tc>, window_params = [{transform_indices = @transform_0, window_bounds = array<i64: 2048, 32>}, {transform_indices = @transform_1, window_bounds = array<i64: 2048, 1>}, {transform_indices = @transform_2, window_bounds = array<i64: 2048, 32>}, {transform_indices = @transform_3, window_bounds = array<i64: 1, 2048>}, {transform_indices = @transform_4, window_bounds = array<i64: 2048, 1>}]} {
    %eq3A = arith.constant 0 : i32
    %eq3A_0 = arith.cmpi eq, %arg1, %eq3A : i32
    %convert_element_type3A = arith.extui %eq3A_0 : i1 to i32
    %cond3A = arith.constant 0 : i32
    %cond3A_1 = arith.cmpi ne, %convert_element_type3A, %cond3A : i32
    scf.if %cond3A_1 {
      %broadcast_in_dim3A_42 = arith.constant 0x7F800000 : f32
      %broadcast_in_dim3A_43 = vector.broadcast %broadcast_in_dim3A_42 : f32 to vector<2048x1xf32>
      %swap3A = arith.constant 0 : index
      %swap3A_44 = arith.constant 0 : index
      %swap3A_45 = vector.load %arg7[%swap3A, %swap3A_44] : memref<2048x1xf32, #tpu.memory_space<vmem>>, vector<2048x1xf32>
      tpu.vector_store %arg7[%swap3A, %swap3A_44], %broadcast_in_dim3A_43 {strides = array<i32>} : memref<2048x1xf32, #tpu.memory_space<vmem>>, vector<2048x1xf32>,
      %broadcast_in_dim3A_46 = arith.constant 0 : i32
      %broadcast_in_dim3A_47 = vector.broadcast %broadcast_in_dim3A_46 : i32 to vector<2048x1xi32>
      %swap3A_48 = arith.constant 0 : index
      %swap3A_49 = arith.constant 0 : index
      %swap3A_50 = vector.load %arg8[%swap3A_48, %swap3A_49] : memref<2048x1xi32, #tpu.memory_space<vmem>>, vector<2048x1xi32>
      tpu.vector_store %arg8[%swap3A_48, %swap3A_49], %broadcast_in_dim3A_47 {strides = array<i32>} : memref<2048x1xi32, #tpu.memory_space<vmem>>, vector<2048x1xi32>,
      %broadcast_in_dim3A_51 = arith.constant 0x7F800000 : f32
      %broadcast_in_dim3A_52 = vector.broadcast %broadcast_in_dim3A_51 : f32 to vector<2048x1xf32>
      %swap3A_53 = arith.constant 0 : index
      %swap3A_54 = arith.constant 0 : index
      %swap3A_55 = vector.load %arg9[%swap3A_53, %swap3A_54] : memref<2048x1xf32, #tpu.memory_space<vmem>>, vector<2048x1xf32>
      tpu.vector_store %arg9[%swap3A_53, %swap3A_54], %broadcast_in_dim3A_52 {strides = array<i32>} : memref<2048x1xf32, #tpu.memory_space<vmem>>, vector<2048x1xf32>,
      %broadcast_in_dim3A_56 = arith.constant 0 : i32
      %broadcast_in_dim3A_57 = vector.broadcast %broadcast_in_dim3A_56 : i32 to vector<2048x1xi32>
      %swap3A_58 = arith.constant 0 : index
      %swap3A_59 = arith.constant 0 : index
      %swap3A_60 = vector.load %arg10[%swap3A_58, %swap3A_59] : memref<2048x1xi32, #tpu.memory_space<vmem>>, vector<2048x1xi32>
      tpu.vector_store %arg10[%swap3A_58, %swap3A_59], %broadcast_in_dim3A_57 {strides = array<i32>} : memref<2048x1xi32, #tpu.memory_space<vmem>>, vector<2048x1xi32>,
    } else {
    }
    %get3A = arith.constant 0 : index
    %get3A_2 = arith.constant 0 : index
    %get3A_3 = vector.load %arg2[%get3A, %get3A_2] : memref<2048x32xf32, #tpu.memory_space<vmem>>, vector<2048x32xf32>
    %get3A_4 = arith.constant 0 : index
    %get3A_5 = arith.constant 0 : index
    %get3A_6 = vector.load %arg4[%get3A_4, %get3A_5] : memref<2048x32xf32, #tpu.memory_space<vmem>>, vector<2048x32xf32>
    %dot_general3A = arith.constant dense<0.000000e+00> : vector<2048x2048xf32>
    %dot_general3A_7 = tpu.matmul %get3A_3, %get3A_6, %dot_general3A {dimension_numbers = #tpu.dot_dimension_numbers<[1], [1], [0], [0], [0, 0, 1, 0], [], []>, transpose_lhs_hint = false} : vector<2048x32xf32>, vector<2048x32xf32>, vector<2048x2048xf32> -> vector<2048x2048xf32>
    %get3A_8 = arith.constant 0 : index
    %get3A_9 = arith.constant 0 : index
    %get3A_10 = vector.load %arg3[%get3A_8, %get3A_9] : memref<2048x1xf32, #tpu.memory_space<vmem>>, vector<2048x1xf32>
    %mul3A = arith.constant 2.000000e+00 : f32
    %mul3A_11 = vector.broadcast %mul3A : f32 to vector<2048x2048xf32>
    %mul3A_12 = arith.mulf %mul3A_11, %dot_general3A_7 : vector<2048x2048xf32>
    %sub3A = vector.broadcast %get3A_10 : vector<2048x1xf32> to vector<2048x2048xf32>
    %sub3A_13 = arith.subf %sub3A, %mul3A_12 : vector<2048x2048xf32>
    %get3A_14 = arith.constant 0 : index
    %get3A_15 = arith.constant 0 : index
    %get3A_16 = vector.load %arg5[%get3A_14, %get3A_15] : memref<1x2048xf32, #tpu.memory_space<vmem>>, vector<1x2048xf32>
    %add3A = vector.broadcast %get3A_16 : vector<1x2048xf32> to vector<2048x2048xf32>
    %add3A_17 = arith.addf %sub3A_13, %add3A : vector<2048x2048xf32>
    %reduce_min3A = arith.constant dense<0x7F800000> : vector<2048xf32>
    %reduce_min3A_18 = vector.multi_reduction <minimumf>, %add3A_17, %reduce_min3A [1] : vector<2048x2048xf32> to vector<2048xf32>
    %broadcast_in_dim3A = vector.shape_cast %reduce_min3A_18 : vector<2048xf32> to vector<2048x1xf32>
    %iota3A = tpu.iota {dimensions = array<i32: 1>} : vector<2048x2048xi32>
    %eq3A_19 = vector.broadcast %broadcast_in_dim3A : vector<2048x1xf32> to vector<2048x2048xf32>
    %eq3A_20 = arith.cmpf oeq, %add3A_17, %eq3A_19 : vector<2048x2048xf32>
    %jit3A = arith.constant 1073741824 : i32
    %broadcast_in_dim3A_21 = vector.broadcast %jit3A : i32 to vector<2048x2048xi32>
    %select_n3A = arith.select %eq3A_20, %iota3A, %broadcast_in_dim3A_21 : vector<2048x2048xi1>, vector<2048x2048xi32>
    %reduce_min3A_22 = arith.constant dense<2147483647> : vector<2048xi32>
    %reduce_min3A_23 = vector.multi_reduction <minsi>, %select_n3A, %reduce_min3A_22 [1] : vector<2048x2048xi32> to vector<2048xi32>
    %broadcast_in_dim3A_24 = vector.shape_cast %reduce_min3A_23 : vector<2048xi32> to vector<2048x1xi32>
    %mul3A_25 = arith.constant 2048 : i32
    %mul3A_26 = arith.muli %arg1, %mul3A_25 : i32
    %add3A_27 = vector.broadcast %mul3A_26 : i32 to vector<2048x1xi32>
    %add3A_28 = arith.addi %broadcast_in_dim3A_24, %add3A_27 : vector<2048x1xi32>
    %lt3A = arith.constant 2 : i32
    %lt3A_29 = arith.cmpi slt, %arg1, %lt3A : i32
    %convert_element_type3A_30 = arith.extui %lt3A_29 : i1 to i32
    %cond3A_31 = arith.constant 0 : i32
    %cond3A_32 = arith.cmpi ne, %convert_element_type3A_30, %cond3A_31 : i32
    scf.if %cond3A_32 {
      %get3A_42 = arith.constant 0 : index
      %get3A_43 = arith.constant 0 : index
      %get3A_44 = vector.load %arg7[%get3A_42, %get3A_43] : memref<2048x1xf32, #tpu.memory_space<vmem>>, vector<2048x1xf32>
      %lt3A_45 = arith.cmpf olt, %broadcast_in_dim3A, %get3A_44 : vector<2048x1xf32>
      %get3A_46 = arith.constant 0 : index
      %get3A_47 = arith.constant 0 : index
      %get3A_48 = vector.load %arg7[%get3A_46, %get3A_47] : memref<2048x1xf32, #tpu.memory_space<vmem>>, vector<2048x1xf32>
      %select_n3A_49 = arith.select %lt3A_45, %broadcast_in_dim3A, %get3A_48 : vector<2048x1xi1>, vector<2048x1xf32>
      %swap3A = arith.constant 0 : index
      %swap3A_50 = arith.constant 0 : index
      %swap3A_51 = vector.load %arg7[%swap3A, %swap3A_50] : memref<2048x1xf32, #tpu.memory_space<vmem>>, vector<2048x1xf32>
      tpu.vector_store %arg7[%swap3A, %swap3A_50], %select_n3A_49 {strides = array<i32>} : memref<2048x1xf32, #tpu.memory_space<vmem>>, vector<2048x1xf32>,
      %get3A_52 = arith.constant 0 : index
      %get3A_53 = arith.constant 0 : index
      %get3A_54 = vector.load %arg8[%get3A_52, %get3A_53] : memref<2048x1xi32, #tpu.memory_space<vmem>>, vector<2048x1xi32>
      %select_n3A_55 = arith.select %lt3A_45, %add3A_28, %get3A_54 : vector<2048x1xi1>, vector<2048x1xi32>
      %swap3A_56 = arith.constant 0 : index
      %swap3A_57 = arith.constant 0 : index
      %swap3A_58 = vector.load %arg8[%swap3A_56, %swap3A_57] : memref<2048x1xi32, #tpu.memory_space<vmem>>, vector<2048x1xi32>
      tpu.vector_store %arg8[%swap3A_56, %swap3A_57], %select_n3A_55 {strides = array<i32>} : memref<2048x1xi32, #tpu.memory_space<vmem>>, vector<2048x1xi32>,
    } else {
    }
    %ge3A = arith.constant 2 : i32
    %ge3A_33 = arith.cmpi sge, %arg1, %ge3A : i32
    %convert_element_type3A_34 = arith.extui %ge3A_33 : i1 to i32
    %cond3A_35 = arith.constant 0 : i32
    %cond3A_36 = arith.cmpi ne, %convert_element_type3A_34, %cond3A_35 : i32
    scf.if %cond3A_36 {
      %get3A_42 = arith.constant 0 : index
      %get3A_43 = arith.constant 0 : index
      %get3A_44 = vector.load %arg9[%get3A_42, %get3A_43] : memref<2048x1xf32, #tpu.memory_space<vmem>>, vector<2048x1xf32>
      %lt3A_45 = arith.cmpf olt, %broadcast_in_dim3A, %get3A_44 : vector<2048x1xf32>
      %get3A_46 = arith.constant 0 : index
      %get3A_47 = arith.constant 0 : index
      %get3A_48 = vector.load %arg9[%get3A_46, %get3A_47] : memref<2048x1xf32, #tpu.memory_space<vmem>>, vector<2048x1xf32>
      %select_n3A_49 = arith.select %lt3A_45, %broadcast_in_dim3A, %get3A_48 : vector<2048x1xi1>, vector<2048x1xf32>
      %swap3A = arith.constant 0 : index
      %swap3A_50 = arith.constant 0 : index
      %swap3A_51 = vector.load %arg9[%swap3A, %swap3A_50] : memref<2048x1xf32, #tpu.memory_space<vmem>>, vector<2048x1xf32>
      tpu.vector_store %arg9[%swap3A, %swap3A_50], %select_n3A_49 {strides = array<i32>} : memref<2048x1xf32, #tpu.memory_space<vmem>>, vector<2048x1xf32>,
      %get3A_52 = arith.constant 0 : index
      %get3A_53 = arith.constant 0 : index
      %get3A_54 = vector.load %arg10[%get3A_52, %get3A_53] : memref<2048x1xi32, #tpu.memory_space<vmem>>, vector<2048x1xi32>
      %select_n3A_55 = arith.select %lt3A_45, %add3A_28, %get3A_54 : vector<2048x1xi1>, vector<2048x1xi32>
      %swap3A_56 = arith.constant 0 : index
      %swap3A_57 = arith.constant 0 : index
      %swap3A_58 = vector.load %arg10[%swap3A_56, %swap3A_57] : memref<2048x1xi32, #tpu.memory_space<vmem>>, vector<2048x1xi32>
      tpu.vector_store %arg10[%swap3A_56, %swap3A_57], %select_n3A_55 {strides = array<i32>} : memref<2048x1xi32, #tpu.memory_space<vmem>>, vector<2048x1xi32>,
    } else {
    }
    %eq3A_37 = arith.constant 3 : i32
    %eq3A_38 = arith.cmpi eq, %arg1, %eq3A_37 : i32
    %convert_element_type3A_39 = arith.extui %eq3A_38 : i1 to i32
    %cond3A_40 = arith.constant 0 : i32
    %cond3A_41 = arith.cmpi ne, %convert_element_type3A_39, %cond3A_40 : i32
    scf.if %cond3A_41 {
      %get3A_42 = arith.constant 0 : index
      %get3A_43 = arith.constant 0 : index
      %get3A_44 = vector.load %arg7[%get3A_42, %get3A_43] : memref<2048x1xf32, #tpu.memory_space<vmem>>, vector<2048x1xf32>
      %bitcast_convert_type3A = tpu.bitcast %get3A_44 : vector<2048x1xf32> -> vector<2048x1xi32>
      %add3A_45 = arith.constant 32767 : i32
      %add3A_46 = vector.broadcast %add3A_45 : i32 to vector<2048x1xi32>
      %add3A_47 = arith.addi %bitcast_convert_type3A, %add3A_46 : vector<2048x1xi32>
      %shift_right_arithmetic3A = arith.constant 16 : i32
      %shift_right_arithmetic3A_48 = vector.broadcast %shift_right_arithmetic3A : i32 to vector<2048x1xi32>
      %shift_right_arithmetic3A_49 = arith.shrsi %add3A_47, %shift_right_arithmetic3A_48 : vector<2048x1xi32>
      %shift_left3A = arith.constant 16 : i32
      %shift_left3A_50 = vector.broadcast %shift_left3A : i32 to vector<2048x1xi32>
      %shift_left3A_51 = arith.shli %shift_right_arithmetic3A_49, %shift_left3A_50 : vector<2048x1xi32>
      %bitcast_convert_type3A_52 = tpu.bitcast %shift_left3A_51 : vector<2048x1xi32> -> vector<2048x1xf32>
      %get3A_53 = arith.constant 0 : index
      %get3A_54 = arith.constant 0 : index
      %get3A_55 = vector.load %arg9[%get3A_53, %get3A_54] : memref<2048x1xf32, #tpu.memory_space<vmem>>, vector<2048x1xf32>
      %le3A = arith.cmpf ole, %bitcast_convert_type3A_52, %get3A_55 : vector<2048x1xf32>
      %get3A_56 = arith.constant 0 : index
      %get3A_57 = arith.constant 0 : index
      %get3A_58 = vector.load %arg8[%get3A_56, %get3A_57] : memref<2048x1xi32, #tpu.memory_space<vmem>>, vector<2048x1xi32>
      %get3A_59 = arith.constant 0 : index
      %get3A_60 = arith.constant 0 : index
      %get3A_61 = vector.load %arg10[%get3A_59, %get3A_60] : memref<2048x1xi32, #tpu.memory_space<vmem>>, vector<2048x1xi32>
      %select_n3A_62 = arith.select %le3A, %get3A_58, %get3A_61 : vector<2048x1xi1>, vector<2048x1xi32>
      %swap3A = arith.constant 0 : index
      %swap3A_63 = arith.constant 0 : index
      %swap3A_64 = vector.load %arg6[%swap3A, %swap3A_63] : memref<2048x1xi32, #tpu.memory_space<vmem>>, vector<2048x1xi32>
      tpu.vector_store %arg6[%swap3A, %swap3A_63], %select_n3A_62 {strides = array<i32>} : memref<2048x1xi32, #tpu.memory_space<vmem>>, vector<2048x1xi32>,
    } else {
    }
    return
  }
  func.func @transform_0(%arg0: i32, %arg1: i32) -> (i32, i32) {
    %c0_i32 = arith.constant 0 : i32
    %c0_i32_0 = arith.constant 0 : i32
    return %arg0, %c0_i32 : i32, i32
  }
  func.func @transform_1(%arg0: i32, %arg1: i32) -> (i32, i32) {
    %c0_i32 = arith.constant 0 : i32
    %c0_i32_0 = arith.constant 0 : i32
    return %arg0, %c0_i32 : i32, i32
  }
  func.func @transform_2(%arg0: i32, %arg1: i32) -> (i32, i32) {
    %c0_i32 = arith.constant 0 : i32
    %c0_i32_0 = arith.constant 0 : i32
    return %arg1, %c0_i32 : i32, i32
  }
  func.func @transform_3(%arg0: i32, %arg1: i32) -> (i32, i32) {
    %c0_i32 = arith.constant 0 : i32
    %c0_i32_0 = arith.constant 0 : i32
    return %c0_i32, %arg1 : i32, i32
  }
  func.func @transform_4(%arg0: i32, %arg1: i32) -> (i32, i32) {
    %c0_i32 = arith.constant 0 : i32
    %c0_i32_0 = arith.constant 0 : i32
    return %arg0, %c0_i32 : i32, i32
  }
}

</mosaic_0001>

<sc_bundles>
// kernel: kernel.4.cloned.1.call-start
scs
__scs_entry_jumppad:
0x0: {  	(pc) =	sbr.rel $0x88, $3  }
0x1: {  	(tag) =	ssettag $0x0;
	lr =	simm.s32 $0x1  }
0x2: {  	[smem:$0x3F9F] =	sst lr;
	_ =	strace $0xD0000000  }
0x3: {  	_ = 	snop  }
0x4: {  	_ = 	snop  }
0x5: {  	_ = 	snop  }
0x6: {  	_ = 	snop  }
0x7: {  	_ = 	snop  }
__scs_overlays_trampoline_lowered:
0x8: {  	[smem:$0x3FAE] =	sst s0  }
0x9: {  	[smem:$0x3FAF] =	sst s1  }
0xa: {  	[smem:$0x3FB0] =	sst s2  }
0xb: {  	[smem:$0x3FB1] =	sst s3  }
0xc: {  	[smem:$0x3FB2] =	sst s4  }
0xd: {  	[smem:$0x3FB3] =	sst s5  }
0xe: {  	[smem:$0x3FB4] =	sst s6  }
0xf: {  	[smem:$0x3FB5] =	sst s7  }
0x10: {  	[smem:$0x3FB6] =	sst s8  }
0x11: {  	[smem:$0x3FB7] =	sst s9;
	s0 =	simm.s32 @!p0 $0x0  }
0x12: {  	s1 =	sld [smem:$0x3F9D];
	s0 =	simm.s32 @p0 $0x1  }
0x13: {  	[smem:$0x3FB8] =	sst s0;
	s0 =	simm.s32 @!p1 $0x0  }
0x14: {  	s2 =	sld [smem:$0x3F9C];
	s0 =	simm.s32 @p1 $0x1  }
0x15: {  	[smem:$0x3FB9] =	sst s0;
	s0 =	simm.s32 @!p2 $0x0  }
0x16: {  	s3 =	sld [smem:$0x3FDB];
	s0 =	simm.s32 @p2 $0x1  }
0x17: {  	s4 =	simm.s32 $0x1BF5;
	[smem:$0x3FBB] =	sst s0  }
0x18: {  	s0 =	sld [smem:$0x3F9E];
	_ =	swait.ge [sflag:s4], $0x0  }
0x19: {  	s7 =	sld [smem:$0x3F9F]  }
0x1a: {  	s8 =	sadd.s32 $0xFFFFE003, lr  }
0x1b: {  	s9 =	sadd.s32 $0xFFFFFEF7, lr;
	s5 =	simm.s32 $0xFFFFFFFF;
	p2 =	slt.u32 s8, $0xFFFFF086  }
0x1c: {  	p1 =	slt.u32 s9, $0xF7A;
	s5 =	simm.s32 @!p2 $0x0  }
0x1d: {  	s5 =	simm.s32 @p1 $0x1;
	p0 =	seq.s32 s7, s2  }
0x1e: {  	s7 =	smul.u32 @!p0 $0xF7A, s2;
	p2 =	seq.s32 @!p0 s5, $0x0  }
0x1f: {  	s9 =	smul.u32 $0xF7A, s1;
	s8 =	simm.s32 @!p0 $0x1BF5;
	p2 =	por !p2, p0  }
0x20: {  	[sflag:s8] =	ssyncset.s32 @!p0 $0xFFFFF086;
	s6 =	sadd.s32 @!p0 s3, s7;
	s7 =	simm.s32 @!p0 $0x108  }
0x21: {  	s3 =	sadd.s32 s3, s9;
	s6 =	sadd.s32 @!p0 $0x88, s6;
	s7 =	simm.s32 @p2 $0x1082  }
0x22: {  	[simem:s7], [sflag:s8] =	dma.local @!p0 [hbm:s6], $0xF7A  }
0x23: {  	s9 =	sor.u32 $0xD0000000, s2;
	s6 =	simm.s32 $0x108;
	_ =	swait.ge @!p0 [sflag:s8], $0x0  }
0x24: {  	s3 =	sadd.s32 $0x88, s3;
	s6 =	simm.s32 @!p1 $0x1082;
	[sflag:s4] =	ssyncset.s32 $0xFFFFF086  }
0x25: {  	[simem:s6], [sflag:s4] =	dma.local [hbm:s3], $0xF7A  }
0x26: {  	[smem:$0x3F9F] =	sst s1;
	(tag) =	ssettag s2;
	_ =	strace s9  }
0x27: {  	s1 =	sld [smem:$0x3FAF]  }
0x28: {  	s2 =	sld [smem:$0x3FB0]  }
0x29: {  	s4 =	sld [smem:$0x3FB2]  }
0x2a: {  	p0 =	seq.s32 s5, $0x0;
	s5 =	sld [smem:$0x3FB3]  }
0x2b: {  	s6 =	sld [smem:$0x3FB4]  }
0x2c: {  	s7 =	sld [smem:$0x3FB5]  }
0x2d: {  	s3 =	simm.s32 $0x108;
	s8 =	sld [smem:$0x3FB6]  }
0x2e: {  	s3 =	simm.s32 @!p0 $0x1082;
	s9 =	sld [smem:$0x3FB7]  }
0x2f: {  	lr =	sadd.s32 s0, s3;
	s0 =	sld [smem:$0x3FAE]  }
0x30: {  	s3 =	sld [smem:$0x3FB1]  }
0x31: {  	[smem:$0x3FBA] =	sst s10  }
0x32: {  	s10 =	sld [smem:$0x3FB8];
	_ =	sdelay $0x3  }
0x33: {  	p0 =	seq.s32 s10, $0x1;
	s10 =	sld [smem:$0x3FBA];
	_ =	sdelay $0x3  }
0x34: {  	[smem:$0x3FBA] =	sst s10  }
0x35: {  	s10 =	sld [smem:$0x3FB9];
	_ =	sdelay $0x3  }
0x36: {  	p1 =	seq.s32 s10, $0x1;
	s10 =	sld [smem:$0x3FBA];
	_ =	sdelay $0x3  }
0x37: {  	[smem:$0x3FBA] =	sst s10  }
0x38: {  	s10 =	sld [smem:$0x3FBB]  }
0x39: {  	_ = 	snop;
	(pc) =	sbr.ind lr, $3  }
0x3a: {  	_ = 	snop  }
0x3b: {  	_ = 	snop  }
0x3c: {  	p2 =	seq.s32 s10, $0x1;
	s10 =	sld [smem:$0x3FBA]  }
0x3d: {  	_ =	shalt  }
0x3e: {  	_ =	shalt  }
0x3f: {  	_ =	shalt  }
0x40: {  	_ =	shalt  }
0x41: {  	_ =	shalt  }
0x42: {  	_ =	shalt  }
0x43: {  	_ =	shalt  }
0x44: {  	_ =	shalt  }
0x45: {  	_ =	shalt  }
0x46: {  	_ =	shalt  }
0x47: {  	_ =	shalt  }
0x48: {  	_ =	shalt  }
0x49: {  	_ =	shalt  }
0x4a: {  	_ =	shalt  }
0x4b: {  	_ =	shalt  }
0x4c: {  	_ =	shalt  }
0x4d: {  	_ =	shalt  }
0x4e: {  	_ =	shalt  }
0x4f: {  	_ =	shalt  }
0x50: {  	_ =	shalt  }
0x51: {  	_ =	shalt  }
0x52: {  	_ =	shalt  }
0x53: {  	_ =	shalt  }
0x54: {  	_ =	shalt  }
0x55: {  	_ =	shalt  }
0x56: {  	_ =	shalt  }
0x57: {  	_ =	shalt  }
0x58: {  	_ =	shalt  }
0x59: {  	_ =	shalt  }
0x5a: {  	_ =	shalt  }
0x5b: {  	_ =	shalt  }
0x5c: {  	_ =	shalt  }
0x5d: {  	_ =	shalt  }
0x5e: {  	_ =	shalt  }
0x5f: {  	_ =	shalt  }
0x60: {  	_ =	shalt  }
0x61: {  	_ =	shalt  }
0x62: {  	_ =	shalt  }
0x63: {  	_ =	shalt  }
0x64: {  	_ =	shalt  }
0x65: {  	_ =	shalt  }
0x66: {  	_ =	shalt  }
0x67: {  	_ =	shalt  }
0x68: {  	_ =	shalt  }
0x69: {  	_ =	shalt  }
0x6a: {  	_ =	shalt  }
0x6b: {  	_ =	shalt  }
0x6c: {  	_ =	shalt  }
0x6d: {  	_ =	shalt  }
0x6e: {  	_ =	shalt  }
0x6f: {  	_ =	shalt  }
0x70: {  	_ =	shalt  }
0x71: {  	_ =	shalt  }
0x72: {  	_ =	shalt  }
0x73: {  	_ =	shalt  }
0x74: {  	_ =	shalt  }
0x75: {  	_ =	shalt  }
0x76: {  	_ =	shalt  }
0x77: {  	_ =	shalt  }
0x78: {  	_ =	shalt  }
0x79: {  	_ =	shalt  }
0x7a: {  	_ =	shalt  }
0x7b: {  	_ =	shalt  }
0x7c: {  	_ =	shalt  }
0x7d: {  	_ =	shalt  }
0x7e: {  	_ =	shalt  }
0x7f: {  	_ =	shalt  }
0x80: {  	_ =	shalt  }
0x81: {  	_ =	shalt  }
0x82: {  	_ =	shalt  }
0x83: {  	_ =	shalt  }
0x84: {  	_ =	shalt  }
0x85: {  	_ =	shalt  }
0x86: {  	_ =	shalt  }
0x87: {  	_ =	shalt  }
.Lfunc_end0:
.L_simem_size_0:
called_computation_lowered:
.L_overlay_start_0:
0x88: {  	s2 =	sld [smem:$0x3FD9]  }
0x89: {  	s3 =	sld [smem:$0x3FFE];
	_ =	sdelay $0x1  }
0x8a: {  	s1 =	srdreg.scid  }
0x8b: {  	s0 =	sand.u32 $0x1, s1  }
0x8c: {  	s14 =	sshll.u32 s0, $0xA;
	s2 =	sadd.s32 s3, s2  }
0x8d: {  	s2 =	sadd.s32 s2, s14  }
0x8e: {  	[smem:$0x3FC6] =	sst s2  }
0x8f: {  	_ = 	snop  }
0x90: {  	s2 =	sld [smem:$0x3FD0];
	_ =	sdelay $0x2  }
0x91: {  	s15 =	simm.s32 $0xA;
	s4 =	simm.s32 $0x10  }
0x92: {  	[smem:s4], [sflag:s15] =	dma.local [hbm:s2], $0x1  }
0x93: {  	_ =	swait.eq [sflag:s15], $0x1  }
0x94: {  	[sflag:s15] =	ssyncset.done $0x0  }
0x95: {  	[sflag:s15] =	ssyncadd.s32 $0xFFFFFFFF  }
0x96: {  	s16 =	sld [smem:$0x10];
	(tm) =	ssettm $0x1  }
0x97: {  	s17 =	sld [smem:$0x3FFB];
	_ =	sdelay $0x3  }
0x98: {  	_ =	strace s17  }
0x99: {  	s3 =	sld [smem:$0x3FFC];
	_ =	sdelay $0x3  }
0x9a: {  	_ =	strace s3  }
0x9b: {  	s3 =	sld [smem:$0x3FFD];
	_ =	sdelay $0x3  }
0x9c: {  	_ =	strace s3  }
0x9d: {  	_ =	strace $0x8FFFFFFF  }
0x9e: {  	s18 =	sld [smem:$0x3FDB];
	_ =	sdelay $0x1  }
0x9f: {  	s19 =	simm.s32 $_scs_section_size  }
0xa0: {  	s5 =	simm.s32 $_size__tile_overlayer_lowered;
	s6 =	simm.s32 $_tile_overlayer_lowered  }
0xa1: {  	s22 =	simm.s32 $0x1BFF;
	s21 =	sshll.u32 s6, $0x1;
	s3 =	sadd.s32 s19, s18  }
0xa2: {  	s7 =	simm.s32 $0x0;
	s20 =	sshll.u32 s5, $0x1;
	s5 =	sadd.s32 s21, s3  }
0xa3: {  	[timem:s7], [sflag:s22] =	dma.local [hbm:s5], s20  }
0xa4: {  	_ =	swait.ge [sflag:s22], s20  }
0xa5: {  	s4 =	ssub.s32 $0x0, s20;
	[sflag:s22] =	ssyncset.done $0x0  }
0xa6: {  	[sflag:s22] =	ssyncadd.s32 s4;
	_ =	sdelay $0x1  }
0xa7: {  	s23 =	simm.s32 $0x1B8B  }
0xa8: {  	_ =	swait.ge [sflag:s23], $0x1  }
0xa9: {  	[sflag:s23] =	ssyncset.done $0x0  }
0xaa: {  	s25 =	simm.s32 $0x1B8E;
	s24 =	sld [smem:$0x3FFE];
	[sflag:s23] =	ssyncadd.s32 $0xFFFFFFFF  }
0xab: {  	s26 =	simm.s32 $execute0_lowered;
	[smem:$0x3FD2] =	sst s25  }
0xac: {  	s5 =	sshll.u32 s26, $0x1;
	_ =	strace $0x80000046;
	[dreg:$0x1] =	wrdreg $0xFFFFFFFF  }
0xad: {  	s28 =	simm.s32 $_size_execute0_lowered;
	s3 =	sadd.s32 s3, s5;
	[dreg:$0x0] =	wrdreg $0x0  }
0xae: {  	s5 =	sshll.u32 s28, $0x1;
	[dreg:$0x2] =	wrdreg s3  }
0xaf: {  	[dreg:$0x3] =	wrdreg s5  }
0xb0: {  	[dreg:$0x4] =	wrdreg $0xC0  }
0xb1: {  	_ =	task [dreg:s7], $0x5FFFF  }
0xb2: {  	[dreg:$0x1] =	wrdreg $0xFFFFFFFF  }
0xb3: {  	[dreg:$0x0] =	wrdreg $0x60  }
0xb4: {  	[dreg:$0x2] =	wrdreg s24  }
0xb5: {  	[dreg:$0x3] =	wrdreg s16  }
0xb6: {  	[dreg:$0x4] =	wrdreg $0x9  }
0xb7: {  	_ =	task.clear_ibuf [dreg:s7], $0x5FFFF;
	_ =	strace $0x90000046  }
0xb8: {  	s29 =	simm.s32 $0x9;
	_ =	strace $0x80000048  }
0xb9: {  	_ =	swait.ge [sflag:s29], $0x1  }
0xba: {  	[sflag:s29] =	ssyncadd.s32 $0xFFFFFFFF  }
0xbb: {  	_ =	strace $0x90000048  }
0xbc: {  	_ =	sfence  }
0xbd: {  	s30 =	sld [smem:$0x0];
	_ =	sdelay $0x2  }
0xbe: {  	s31 =	sshll.u32 s1, $0xD;
	s1 =	sshrl.u32 s1, $0x2  }
0xbf: {  	s3 =	sand.u32 $0x4000, s31;
	s1 =	sadd.s32 s1, s30  }
0xc0: {  	s0 =	sor.u32 s3, s0;
	s1 =	sshll.u32 s1, $0x11  }
0xc1: {  	s0 =	sor.u32 s1, s0  }
0xc2: {  	s0 =	sadd.s32 $0x8F2B, s0  }
0xc3: {  	[sflag:s0] =	ssyncadd.remote.s32 $0x1  }
0xc4: {  	_ =	sfence.sel $0xFFFF  }
0xc5: {  	[dreg:$0x0] =	wrdreg $0xFFFFFFFF;
	(pc) =	sbr.abs _section_cstart, $3  }
0xc6: {  	[dreg:$0x1] =	wrdreg $0xFFFFFFFF  }
0xc7: {  	_ =	task.clear_ibuf [dreg:s7], $0x2FFFF;
	_ =	strace $0x9FFFFFFF  }
0xc8: {  	(tm) =	ssettm $0x7FFFFFFF  }
0xc9: {  	_ =	shalt  }
tec
execute0_lowered:
.L_overlay_start_1:
0x0: {  	(tag) =	ssettag $0x1  }
0x1: {  	s5 =	rddreg [dreg:$0x0]  }
0x2: {  	s6 =	rddreg [dreg:$0x1]  }
0x3: {  	s0 =	rddreg [dreg:$0x2];
	s3 =	srdreg.scid  }
0x4: {  	s2 =	simm.s32 $0x0;
	s1 =	stileid.u32;
	s10 =	simm.s32 $0x1  }
0x5: {  	s11 =	simm.s32 $0x4200;
	s12 =	simm.s32 $0x0;
	s3 =	sand.u32 $0x1, s3  }
0x6: {  	[smem:$0x7FF] =	sst s2;
	s4 =	sshll.u32 s1, $0xA;
	s7 =	sshll.u32 s3, $0x9  }
0x7: {  	_ =	strace $0x80000047;
	s30 =	ssub.s32 $0x2, s3;
	s4 =	sor.u32 s7, s4  }
0x8: {  	s3 =	sadd.s32 $0x10000, s5;
	s9 =	sshrl.u32 s30, $0x1;
	s8 =	sshrl.u32 s4, $0x3  }
0x9: {  	s7 =	ssub.s32 s30, s9;
	s31 =	sshll.u32 s4, $0x2;
	s9 =	simm.s32 $0x200  }
0xa: {  	s8 =	sadd.s32 s8, s5;
	s5 =	sadd.s32 s5, s31;
	s6 =	sadd.s32 s6, s31  }
0xb: {  	s7 =	smax.u32 s7, $0x1;
	s4 =	sadd.s32 $0x18000, s8;
	s8 =	simm.s32 $0x2  }
.LBB2_1:
0xc: {  	[tilespmem:s2], [sflag:$0x2] =	stream.linear.gather [hbm4b:s4+s2], $0x200, $0x38;
	[tilespmem:$0x8200] =	vst v63  }
0xd: {  	_ =	swait.ge [sflag:s8], $0x200  }
0xe: {  	[sflag:s8] =	ssyncset.done $0x0  }
0xf: {  	[sflag:s8] =	ssyncadd.s32 $0xFFFFFE00  }
0x10: {  	[tilespmem:s9], [sflag:$0x1] =	stream.indirect.gather [hbm4b:s3+s9], $0x20, s2, s9, $0xb8;
	[tilespmem:$0x8200] =	vst v63  }
0x11: {  	_ =	swait.ge [sflag:s10], $0x4000  }
0x12: {  	[sflag:s10] =	ssyncset.done $0x0  }
0x13: {  	[sflag:s10] =	ssyncadd.s32 $0xFFFFC000  }
0x14: {  	[tilespmem:s11], [sflag:$0x2] =	stream.linear.gather [hbm4b:s5+s2], $0x4000, $0x38;
	[tilespmem:$0x8200] =	vst v63  }
0x15: {  	_ =	swait.ge [sflag:s8], $0x4000  }
0x16: {  	[sflag:s8] =	ssyncset.done $0x0  }
0x17: {  	s13 =	simm.s32 $0x0;
	[sflag:s8] =	ssyncadd.s32 $0xFFFFC000  }
0x18: {  	v0 =	vld [tilespmem:s13+$0x4200]  }
0x19: {  	v1 =	vld [tilespmem:s13+$0x4210]  }
0x1a: {  	s14 =	simm.s32 $0x80;
	v2 =	vld [tilespmem:s13+$0x200]  }
.LBB2_2:
0x1b: {  	p0 =	sne.s32 s14, $0xFF80;
	v3 =	vld [tilespmem:s13+$0x210];
	_ =	sdelay $0x3  }
0x1c: {  	v2 =	vsub.f32 v2, v0  }
0x1d: {  	v3 =	vsub.f32 v3, v1  }
0x1e: {  	v2 =	vmul.f32 $2.500000000e-01, v2  }
.Ltmp0:
0x1f: {  	v3 =	vmul.f32 $2.500000000e-01, v3;
	(pc) =	sbr.rel @p0 .LBB2_2-.Ltmp0, $4  }
0x20: {  	s15 =	sshra.s32 s14, $0x2;
	v2 =	vadd.f32 v2, v0  }
0x21: {  	v0 =	vld [tilespmem:s15+$0x4200];
	v3 =	vadd.f32 v3, v1  }
0x22: {  	v1 =	vld [tilespmem:s15+$0x4210];
	[tilespmem:s13+$0x200] =	vst v2  }
0x23: {  	s14 =	sadd.s32 $0x80, s14;
	v2 =	vld [tilespmem:s15+$0x200];
	[tilespmem:s13+$0x210] =	vst v3;
	s13 =	smov.u32 s15  }
0x24: {  	v3 =	vld [tilespmem:s13+$0x210];
	_ =	sdelay $0x3  }
0x25: {  	v2 =	vsub.f32 v2, v0  }
0x26: {  	v3 =	vsub.f32 v3, v1  }
0x27: {  	v2 =	vmul.f32 $2.500000000e-01, v2  }
0x28: {  	v3 =	vmul.f32 $2.500000000e-01, v3  }
0x29: {  	v62 =	vadd.f32 v2, v0  }
0x2a: {  	s12 =	sadd.s32 $0x1, s12;
	v63 =	vadd.f32 v3, v1  }
0x2b: {  	p0 =	sne.s32 s12, s7;
	[tilespmem:s13+$0x200] =	vst v62  }
.Ltmp1:
0x2c: {  	[tilespmem:s13+$0x210] =	vst v63;
	(pc) =	sbr.rel @p0 .LBB2_1-.Ltmp1, $4  }
0x2d: {  	[hbm4b:s6+s2] =	stream.linear.scatter [tilespmem:s9], [sflag:$0x2], $0x4000, $0x38;
	[tilespmem:$0x8200] =	vst v63  }
0x2e: {  	_ =	swait.ge [sflag:s8], $0x4000  }
0x2f: {  	[sflag:s8] =	ssyncset.done $0x0  }
0x30: {  	[sflag:s8] =	ssyncadd.s32 $0xFFFFC000  }
0x31: {  	_ =	sfence.sel $0x180000  }
0x32: {  	[bflag:$0x0] =	sbarrier.arrive $0xFFFF  }
0x33: {  	p0 =	sne.s32 s1, $0x0;
	_ =	strace $0x90000047  }
0x34: {  	s0 =	sadd.s32 @!p0 $0x100000, s0;
	[bflag:$0x2] =	sbarrier.arrive $0xFFFF  }
0x35: {  	[sflag:s0] =	ssyncadd.tile.s32 @!p0 $0x1;
	_ =	shalt  }
.Lfunc_end2:
_tile_overlayer_lowered:
.L_overlay_start_2:
0x36: {  	(tag) =	ssettag $0x2  }
0x37: {  	s0 =	rddreg [dreg:$0x0];
	s2 =	stileid.u32  }
0x38: {  	s1 =	rddreg [dreg:$0x1];
	p0 =	sne.s32 s2, $0x0  }
0x39: {  	s3 =	rddreg [dreg:$0x2];
	[bflag:$0x3] =	sbarrier.arrive $0xFFFF;
	s2 =	simm.s32 @!p0 $0x1C02  }
0x3a: {  	[timem:s3], [sflag:s2] =	dma.local @!p0 [hbm:s0], s1  }
0x3b: {  	s0 =	simm.s32 @!p0 $0x2  }
0x3c: {  	_ =	swait.ge @!p0 [sflag:s0], s1  }
0x3d: {  	s1 =	ssub.s32 @!p0 $0x0, s1;
	[sflag:s0] =	ssyncset.done @!p0 $0x0  }
0x3e: {  	[sflag:s0] =	ssyncadd.s32 @!p0 s1  }
0x3f: {  	[bflag:$0x3] =	sbarrier.arrive $0xFFFF  }
0x40: {  	_ =	shalt  }

</sc_bundles>
